<compile_context>
chip_gen: v7x
topology: tpu7x:2x2x1
jax: 0.10.2.dev20260603
libtpu: 0.0.44.dev20260713+nightly
codegen_flags: <defaults>
</compile_context>

<pallas_src>
import functools

import jax
import jax.numpy as jnp
from jax import lax
from jax.experimental import pallas as pl
from jax.experimental.pallas import tpu as pltpu
from jax.experimental.pallas import tpu_sc as plsc

B = 16384
NC, NS, L = 1, 16, 16
NW = NC * NS
BPW = B // NW

_mesh = plsc.VectorSubcoreMesh(core_axis_name="c", subcore_axis_name="s",
                               num_cores=1)


@functools.partial(
    pl.kernel,
    mesh=_mesh,
    compiler_params=pltpu.CompilerParams(needs_layout_passes=False),
    out_type=jax.ShapeDtypeStruct((2, B), jnp.float32),
    scratch_types=[
        pltpu.VMEM((2 * L,), jnp.float32),
        pltpu.VMEM((BPW,), jnp.int32),
        pltpu.VMEM((2 * BPW,), jnp.float32)
    ],
)
def _emission_sc(logits_hbm, x_hbm, out_hbm, t_v, x_v, o_v):
    wid = lax.axis_index("s") * NC + lax.axis_index("c")
    base = wid * BPW
    pltpu.sync_copy(x_hbm.at[pl.ds(base, BPW)], x_v)
    pltpu.sync_copy(logits_hbm, t_v.at[pl.ds(24, 4)])

    lanes = lax.iota(jnp.int32, L)
    partner = lanes ^ 1
    v = t_v[pl.ds(16, L)]
    t_v[pl.ds(0, L)] = v
    pv = plsc.load_gather(t_v, [partner])
    e = jnp.exp(v - jnp.maximum(v, pv))
    t_v[pl.ds(0, L)] = e
    ep = plsc.load_gather(t_v, [partner])
    p = e / (e + ep)
    t_v[pl.ds(0, L)] = p
    one = lanes * 0 + 1
    p00 = plsc.load_gather(t_v, [one + 7])
    p01 = plsc.load_gather(t_v, [one + 8])
    p10 = plsc.load_gather(t_v, [one + 9])
    p11 = plsc.load_gather(t_v, [one + 10])

    def body(i, carry):
        xv = plsc.load_gather(x_v, [lanes + i * L])
        msk = xv == 0
        o_v[pl.ds(i * L, L)] = jnp.where(msk, p00, p01)
        o_v[pl.ds(BPW + i * L, L)] = jnp.where(msk, p10, p11)
        return carry

    lax.fori_loop(0, BPW // L, body, 0)
    pltpu.sync_copy(o_v.at[pl.ds(0, BPW)], out_hbm.at[0, pl.ds(base, BPW)])
    pltpu.sync_copy(o_v.at[pl.ds(BPW, BPW)], out_hbm.at[1, pl.ds(base, BPW)])


def kernel(x_t, emission_logits):
    logits_flat = emission_logits.reshape(-1).astype(jnp.float32)
    return _emission_sc(logits_flat, x_t.astype(jnp.int32)).T

# --- scband reference (transcript-rebuilt; emitter-appended) ---
"""Pipeline reference for scband-emission-model-15436112461915 (READ-ONLY COPY).

The authoritative reference and input builder live on the scoring server;
editing this copy changes nothing except your own understanding.
"""

import jax, jax.numpy as jnp
import numpy as np


def setup_inputs(seed: int = 0) -> dict:
    key = jax.random.key(seed)
    x_t = jax.random.randint(key, (16384,), 0, 2)
    # Learned parameter hardcoded in the torch module's __init__
    emission_logits = jnp.array([[0.8, 0.2], [0.6, 0.4]], dtype=jnp.float32)
    return {"x_t": x_t, "emission_logits": emission_logits}


def reference(x_t, emission_logits):
    # emission_probs = softmax(emission_logits, dim=1)
    emission_probs = jax.nn.softmax(emission_logits, axis=1)
    # out = emission_probs[:, x_t].transpose(0, 1)  -> shape (batch, N)
    out = jnp.take(emission_probs, x_t, axis=1).T
    return out

if __name__ == "__main__":
    import jax
    _d = setup_inputs()
    print(jax.jit(kernel)(*tuple(_d.values())))

</pallas_src>

<mosaic_0001>
#map = affine_map<(d0, d1) -> (0)>
#map1 = affine_map<(d0, d1) -> (0, 0)>
module attributes {stable_mosaic.version = 14 : i64} {
  func.func @_emission_sc(%arg0: i32, %arg1: i32, %arg2: memref<4xf32, #tpu.memory_space<hbm>>, %arg3: memref<16384xi32, #tpu.memory_space<hbm>>, %arg4: memref<2x16384xf32, #tpu.memory_space<hbm>>, %arg5: memref<32xf32, #tpu.memory_space<vmem>>, %arg6: memref<1024xi32, #tpu.memory_space<vmem>>, %arg7: memref<2048xf32, #tpu.memory_space<vmem>>) attributes {dimension_semantics = [#tpu.dimension_semantics<core_parallel>, #tpu.dimension_semantics<subcore_parallel>], iteration_bounds = array<i64: 1, 16>, scalar_prefetch = 0 : i64, scratch_operands = 3 : i64, tpu.core_type = #tpu.core_type<sc_vector_subcore>, window_params = [{transform_indices = #map}, {transform_indices = #map}, {transform_indices = #map1}]} {
    %mul3A = arith.constant 1 : i32
    %mul3A_0 = arith.muli %arg1, %mul3A : i32
    %add3A = arith.addi %mul3A_0, %arg0 : i32
    %mul3A_1 = arith.constant 1024 : i32
    %mul3A_2 = arith.muli %add3A, %mul3A_1 : i32
    "tpu.region"() ({
      %run_scoped3A_41 = tpu.sem_alloc : memref<!tpu.dma_semaphore, #tpu.memory_space<semaphore_mem>>
      %dma_start3A = tpu.memref_slice %arg3[%mul3A_2] : memref<16384xi32, #tpu.memory_space<hbm>> -> memref<1024xi32, #tpu.memory_space<hbm>>
      %dma_start3A_42 = tpu.memref_slice %arg3[%mul3A_2] : memref<16384xi32, #tpu.memory_space<hbm>> -> memref<1024xi32, #tpu.memory_space<hbm>>
      tpu.enqueue_dma source(%dma_start3A_42 : memref<1024xi32, #tpu.memory_space<hbm>>) target(%arg6 : memref<1024xi32, #tpu.memory_space<vmem>>) target_semaphore(%run_scoped3A_41 : memref<!tpu.dma_semaphore, #tpu.memory_space<semaphore_mem>>)
      %dma_wait3A = tpu.memref_slice %arg3[%mul3A_2] : memref<16384xi32, #tpu.memory_space<hbm>> -> memref<1024xi32, #tpu.memory_space<hbm>>
      %dma_wait3A_43 = tpu.memref_slice %arg3[%mul3A_2] : memref<16384xi32, #tpu.memory_space<hbm>> -> memref<1024xi32, #tpu.memory_space<hbm>>
      tpu.wait_dma2 semaphore(%run_scoped3A_41 : memref<!tpu.dma_semaphore, #tpu.memory_space<semaphore_mem>>) src(%dma_wait3A_43 : memref<1024xi32, #tpu.memory_space<hbm>>) dst(%arg6 : memref<1024xi32, #tpu.memory_space<vmem>>)
      tpu.yield
    }) : () -> ()
    "tpu.region"() ({
      %run_scoped3A_41 = tpu.sem_alloc : memref<!tpu.dma_semaphore, #tpu.memory_space<semaphore_mem>>
      %dma_start3A = arith.constant 24 : i32
      %dma_start3A_42 = tpu.memref_slice %arg5[%dma_start3A] : memref<32xf32, #tpu.memory_space<vmem>> -> memref<4xf32, #tpu.memory_space<vmem>>
      %dma_start3A_43 = arith.constant 24 : i32
      %dma_start3A_44 = tpu.memref_slice %arg5[%dma_start3A_43] : memref<32xf32, #tpu.memory_space<vmem>> -> memref<4xf32, #tpu.memory_space<vmem>>
      tpu.enqueue_dma source(%arg2 : memref<4xf32, #tpu.memory_space<hbm>>) target(%dma_start3A_44 : memref<4xf32, #tpu.memory_space<vmem>>) target_semaphore(%run_scoped3A_41 : memref<!tpu.dma_semaphore, #tpu.memory_space<semaphore_mem>>)
      %dma_wait3A = arith.constant 24 : i32
      %dma_wait3A_45 = tpu.memref_slice %arg5[%dma_wait3A] : memref<32xf32, #tpu.memory_space<vmem>> -> memref<4xf32, #tpu.memory_space<vmem>>
      %dma_wait3A_46 = arith.constant 24 : i32
      %dma_wait3A_47 = tpu.memref_slice %arg5[%dma_wait3A_46] : memref<32xf32, #tpu.memory_space<vmem>> -> memref<4xf32, #tpu.memory_space<vmem>>
      tpu.wait_dma2 semaphore(%run_scoped3A_41 : memref<!tpu.dma_semaphore, #tpu.memory_space<semaphore_mem>>) src(%arg2 : memref<4xf32, #tpu.memory_space<hbm>>) dst(%dma_wait3A_47 : memref<4xf32, #tpu.memory_space<vmem>>)
      tpu.yield
    }) : () -> ()
    %iota3A = tpu.iota {dimensions = array<i32: 0>} : vector<16xi32>
    %xor3A = arith.constant 1 : i32
    %xor3A_3 = vector.broadcast %xor3A : i32 to vector<16xi32>
    %xor3A_4 = arith.xori %iota3A, %xor3A_3 : vector<16xi32>
    %get3A = arith.constant 16 : index
    %get3A_5 = tpu.vector_load %arg5[%get3A] {strides = array<i32>} : memref<32xf32, #tpu.memory_space<vmem>>, vector<16xf32>,
    %swap3A = arith.constant 0 : index
    %swap3A_6 = tpu.vector_load %arg5[%swap3A] {strides = array<i32>} : memref<32xf32, #tpu.memory_space<vmem>>, vector<16xf32>,
    tpu.vector_store %arg5[%swap3A], %get3A_5 {strides = array<i32>} : memref<32xf32, #tpu.memory_space<vmem>>, vector<16xf32>,
    %gather3A = tpu.vector_load_idx %arg5[%xor3A_4] : memref<32xf32, #tpu.memory_space<vmem>>[vector<16xi32>], vector<16xf32>,
    %max3A = arith.maximumf %get3A_5, %gather3A : vector<16xf32>
    %sub3A = arith.subf %get3A_5, %max3A : vector<16xf32>
    %exp3A = math.exp %sub3A : vector<16xf32>
    %swap3A_7 = arith.constant 0 : index
    %swap3A_8 = tpu.vector_load %arg5[%swap3A_7] {strides = array<i32>} : memref<32xf32, #tpu.memory_space<vmem>>, vector<16xf32>,
    tpu.vector_store %arg5[%swap3A_7], %exp3A {strides = array<i32>} : memref<32xf32, #tpu.memory_space<vmem>>, vector<16xf32>,
    %gather3A_9 = tpu.vector_load_idx %arg5[%xor3A_4] : memref<32xf32, #tpu.memory_space<vmem>>[vector<16xi32>], vector<16xf32>,
    %add3A_10 = arith.addf %exp3A, %gather3A_9 : vector<16xf32>
    %div3A = arith.divf %exp3A, %add3A_10 : vector<16xf32>
    %swap3A_11 = arith.constant 0 : index
    %swap3A_12 = tpu.vector_load %arg5[%swap3A_11] {strides = array<i32>} : memref<32xf32, #tpu.memory_space<vmem>>, vector<16xf32>,
    tpu.vector_store %arg5[%swap3A_11], %div3A {strides = array<i32>} : memref<32xf32, #tpu.memory_space<vmem>>, vector<16xf32>,
    %mul3A_13 = arith.constant 0 : i32
    %mul3A_14 = vector.broadcast %mul3A_13 : i32 to vector<16xi32>
    %mul3A_15 = arith.muli %iota3A, %mul3A_14 : vector<16xi32>
    %add3A_16 = arith.constant 1 : i32
    %add3A_17 = vector.broadcast %add3A_16 : i32 to vector<16xi32>
    %add3A_18 = arith.addi %mul3A_15, %add3A_17 : vector<16xi32>
    %add3A_19 = arith.constant 7 : i32
    %add3A_20 = vector.broadcast %add3A_19 : i32 to vector<16xi32>
    %add3A_21 = arith.addi %add3A_18, %add3A_20 : vector<16xi32>
    %gather3A_22 = tpu.vector_load_idx %arg5[%add3A_21] : memref<32xf32, #tpu.memory_space<vmem>>[vector<16xi32>], vector<16xf32>,
    %add3A_23 = arith.constant 8 : i32
    %add3A_24 = vector.broadcast %add3A_23 : i32 to vector<16xi32>
    %add3A_25 = arith.addi %add3A_18, %add3A_24 : vector<16xi32>
    %gather3A_26 = tpu.vector_load_idx %arg5[%add3A_25] : memref<32xf32, #tpu.memory_space<vmem>>[vector<16xi32>], vector<16xf32>,
    %add3A_27 = arith.constant 9 : i32
    %add3A_28 = vector.broadcast %add3A_27 : i32 to vector<16xi32>
    %add3A_29 = arith.addi %add3A_18, %add3A_28 : vector<16xi32>
    %gather3A_30 = tpu.vector_load_idx %arg5[%add3A_29] : memref<32xf32, #tpu.memory_space<vmem>>[vector<16xi32>], vector<16xf32>,
    %add3A_31 = arith.constant 10 : i32
    %add3A_32 = vector.broadcast %add3A_31 : i32 to vector<16xi32>
    %add3A_33 = arith.addi %add3A_18, %add3A_32 : vector<16xi32>
    %gather3A_34 = tpu.vector_load_idx %arg5[%add3A_33] : memref<32xf32, #tpu.memory_space<vmem>>[vector<16xi32>], vector<16xf32>,
    %scan3A = arith.constant 0 : i32
    %scan3A_35 = arith.constant 0 : i32
    %scan3A_36 = arith.constant 64 : i32
    %scan3A_37 = arith.addi %scan3A_35, %scan3A_36 : i32
    %scan3A_38 = arith.constant 1 : i32
    scf.for %scan3A_41 = %scan3A_35 to %scan3A_37 step %scan3A_38  : i32 {
      %mul3A_42 = arith.constant 16 : i32
      %mul3A_43 = arith.muli %scan3A_41, %mul3A_42 : i32
      %add3A_44 = vector.broadcast %mul3A_43 : i32 to vector<16xi32>
      %add3A_45 = arith.addi %iota3A, %add3A_44 : vector<16xi32>
      %gather3A_46 = tpu.vector_load_idx %arg6[%add3A_45] : memref<1024xi32, #tpu.memory_space<vmem>>[vector<16xi32>], vector<16xi32>,
      %eq3A = arith.constant 0 : i32
      %eq3A_47 = vector.broadcast %eq3A : i32 to vector<16xi32>
      %eq3A_48 = arith.cmpi eq, %gather3A_46, %eq3A_47 : vector<16xi32>
      %select_n3A = arith.select %eq3A_48, %gather3A_22, %gather3A_26 : vector<16xi1>, vector<16xf32>
      %mul3A_49 = arith.constant 16 : i32
      %mul3A_50 = arith.muli %scan3A_41, %mul3A_49 : i32
      %swap3A_51 = arith.index_cast %mul3A_50 : i32 to index
      %swap3A_52 = tpu.vector_load %arg7[%swap3A_51] {strides = array<i32>} : memref<2048xf32, #tpu.memory_space<vmem>>, vector<16xf32>,
      tpu.vector_store %arg7[%swap3A_51], %select_n3A {strides = array<i32>} : memref<2048xf32, #tpu.memory_space<vmem>>, vector<16xf32>,
      %select_n3A_53 = arith.select %eq3A_48, %gather3A_30, %gather3A_34 : vector<16xi1>, vector<16xf32>
      %mul3A_54 = arith.constant 16 : i32
      %mul3A_55 = arith.muli %scan3A_41, %mul3A_54 : i32
      %add3A_56 = arith.constant 1024 : i32
      %add3A_57 = arith.addi %add3A_56, %mul3A_55 : i32
      %swap3A_58 = arith.index_cast %add3A_57 : i32 to index
      %swap3A_59 = tpu.vector_load %arg7[%swap3A_58] {strides = array<i32>} : memref<2048xf32, #tpu.memory_space<vmem>>, vector<16xf32>,
      tpu.vector_store %arg7[%swap3A_58], %select_n3A_53 {strides = array<i32>} : memref<2048xf32, #tpu.memory_space<vmem>>, vector<16xf32>,
    }
    %scan3A_39 = arith.constant 64 : i32
    %run_scoped3A = arith.constant 0 : i32
    "tpu.region"() ({
      %run_scoped3A_41 = tpu.sem_alloc : memref<!tpu.dma_semaphore, #tpu.memory_space<semaphore_mem>>
      %dma_start3A = arith.constant 0 : i32
      %dma_start3A_42 = tpu.memref_slice %arg7[%dma_start3A] : memref<2048xf32, #tpu.memory_space<vmem>> -> memref<1024xf32, #tpu.memory_space<vmem>>
      %dma_start3A_43 = tpu.memref_slice %arg4[%run_scoped3A, %mul3A_2] : memref<2x16384xf32, #tpu.memory_space<hbm>> -> memref<1x1024xf32, #tpu.memory_space<hbm>>
      %dma_start3A_44 = tpu.memref_squeeze %dma_start3A_43 : memref<1x1024xf32, #tpu.memory_space<hbm>> -> memref<1024xf32, #tpu.memory_space<hbm>>
      %dma_start3A_45 = tpu.memref_slice %arg4[%run_scoped3A, %mul3A_2] : memref<2x16384xf32, #tpu.memory_space<hbm>> -> memref<1x1024xf32, #tpu.memory_space<hbm>>
      %dma_start3A_46 = tpu.memref_squeeze %dma_start3A_45 : memref<1x1024xf32, #tpu.memory_space<hbm>> -> memref<1024xf32, #tpu.memory_space<hbm>>
      %dma_start3A_47 = arith.constant 0 : i32
      %dma_start3A_48 = tpu.memref_slice %arg7[%dma_start3A_47] : memref<2048xf32, #tpu.memory_space<vmem>> -> memref<1024xf32, #tpu.memory_space<vmem>>
      tpu.enqueue_dma source(%dma_start3A_48 : memref<1024xf32, #tpu.memory_space<vmem>>) target(%dma_start3A_46 : memref<1024xf32, #tpu.memory_space<hbm>>) target_semaphore(%run_scoped3A_41 : memref<!tpu.dma_semaphore, #tpu.memory_space<semaphore_mem>>)
      %dma_wait3A = arith.constant 0 : i32
      %dma_wait3A_49 = tpu.memref_slice %arg7[%dma_wait3A] : memref<2048xf32, #tpu.memory_space<vmem>> -> memref<1024xf32, #tpu.memory_space<vmem>>
      %dma_wait3A_50 = tpu.memref_slice %arg4[%run_scoped3A, %mul3A_2] : memref<2x16384xf32, #tpu.memory_space<hbm>> -> memref<1x1024xf32, #tpu.memory_space<hbm>>
      %dma_wait3A_51 = tpu.memref_squeeze %dma_wait3A_50 : memref<1x1024xf32, #tpu.memory_space<hbm>> -> memref<1024xf32, #tpu.memory_space<hbm>>
      %dma_wait3A_52 = tpu.memref_slice %arg4[%run_scoped3A, %mul3A_2] : memref<2x16384xf32, #tpu.memory_space<hbm>> -> memref<1x1024xf32, #tpu.memory_space<hbm>>
      %dma_wait3A_53 = tpu.memref_squeeze %dma_wait3A_52 : memref<1x1024xf32, #tpu.memory_space<hbm>> -> memref<1024xf32, #tpu.memory_space<hbm>>
      %dma_wait3A_54 = arith.constant 0 : i32
      %dma_wait3A_55 = tpu.memref_slice %arg7[%dma_wait3A_54] : memref<2048xf32, #tpu.memory_space<vmem>> -> memref<1024xf32, #tpu.memory_space<vmem>>
      tpu.wait_dma2 semaphore(%run_scoped3A_41 : memref<!tpu.dma_semaphore, #tpu.memory_space<semaphore_mem>>) src(%dma_wait3A_55 : memref<1024xf32, #tpu.memory_space<vmem>>) dst(%dma_wait3A_53 : memref<1024xf32, #tpu.memory_space<hbm>>)
      tpu.yield
    }) : () -> ()
    %run_scoped3A_40 = arith.constant 1 : i32
    "tpu.region"() ({
      %run_scoped3A_41 = tpu.sem_alloc : memref<!tpu.dma_semaphore, #tpu.memory_space<semaphore_mem>>
      %dma_start3A = arith.constant 1024 : i32
      %dma_start3A_42 = tpu.memref_slice %arg7[%dma_start3A] : memref<2048xf32, #tpu.memory_space<vmem>> -> memref<1024xf32, #tpu.memory_space<vmem>>
      %dma_start3A_43 = tpu.memref_slice %arg4[%run_scoped3A_40, %mul3A_2] : memref<2x16384xf32, #tpu.memory_space<hbm>> -> memref<1x1024xf32, #tpu.memory_space<hbm>>
      %dma_start3A_44 = tpu.memref_squeeze %dma_start3A_43 : memref<1x1024xf32, #tpu.memory_space<hbm>> -> memref<1024xf32, #tpu.memory_space<hbm>>
      %dma_start3A_45 = tpu.memref_slice %arg4[%run_scoped3A_40, %mul3A_2] : memref<2x16384xf32, #tpu.memory_space<hbm>> -> memref<1x1024xf32, #tpu.memory_space<hbm>>
      %dma_start3A_46 = tpu.memref_squeeze %dma_start3A_45 : memref<1x1024xf32, #tpu.memory_space<hbm>> -> memref<1024xf32, #tpu.memory_space<hbm>>
      %dma_start3A_47 = arith.constant 1024 : i32
      %dma_start3A_48 = tpu.memref_slice %arg7[%dma_start3A_47] : memref<2048xf32, #tpu.memory_space<vmem>> -> memref<1024xf32, #tpu.memory_space<vmem>>
      tpu.enqueue_dma source(%dma_start3A_48 : memref<1024xf32, #tpu.memory_space<vmem>>) target(%dma_start3A_46 : memref<1024xf32, #tpu.memory_space<hbm>>) target_semaphore(%run_scoped3A_41 : memref<!tpu.dma_semaphore, #tpu.memory_space<semaphore_mem>>)
      %dma_wait3A = arith.constant 1024 : i32
      %dma_wait3A_49 = tpu.memref_slice %arg7[%dma_wait3A] : memref<2048xf32, #tpu.memory_space<vmem>> -> memref<1024xf32, #tpu.memory_space<vmem>>
      %dma_wait3A_50 = tpu.memref_slice %arg4[%run_scoped3A_40, %mul3A_2] : memref<2x16384xf32, #tpu.memory_space<hbm>> -> memref<1x1024xf32, #tpu.memory_space<hbm>>
      %dma_wait3A_51 = tpu.memref_squeeze %dma_wait3A_50 : memref<1x1024xf32, #tpu.memory_space<hbm>> -> memref<1024xf32, #tpu.memory_space<hbm>>
      %dma_wait3A_52 = tpu.memref_slice %arg4[%run_scoped3A_40, %mul3A_2] : memref<2x16384xf32, #tpu.memory_space<hbm>> -> memref<1x1024xf32, #tpu.memory_space<hbm>>
      %dma_wait3A_53 = tpu.memref_squeeze %dma_wait3A_52 : memref<1x1024xf32, #tpu.memory_space<hbm>> -> memref<1024xf32, #tpu.memory_space<hbm>>
      %dma_wait3A_54 = arith.constant 1024 : i32
      %dma_wait3A_55 = tpu.memref_slice %arg7[%dma_wait3A_54] : memref<2048xf32, #tpu.memory_space<vmem>> -> memref<1024xf32, #tpu.memory_space<vmem>>
      tpu.wait_dma2 semaphore(%run_scoped3A_41 : memref<!tpu.dma_semaphore, #tpu.memory_space<semaphore_mem>>) src(%dma_wait3A_55 : memref<1024xf32, #tpu.memory_space<vmem>>) dst(%dma_wait3A_53 : memref<1024xf32, #tpu.memory_space<hbm>>)
      tpu.yield
    }) : () -> ()
    return
  }
}

</mosaic_0001>

<sc_bundles>
// kernel: kernel.3.cloned.1.call-start
scs
__scs_entry_jumppad:
0x0: {  	(pc) =	sbr.rel $0x88, $3  }
0x1: {  	(tag) =	ssettag $0x0;
	lr =	simm.s32 $0x1  }
0x2: {  	[smem:$0x3F9F] =	sst lr;
	_ =	strace $0xD0000000  }
0x3: {  	_ = 	snop  }
0x4: {  	_ = 	snop  }
0x5: {  	_ = 	snop  }
0x6: {  	_ = 	snop  }
0x7: {  	_ = 	snop  }
__scs_overlays_trampoline_lowered:
0x8: {  	[smem:$0x3FAE] =	sst s0  }
0x9: {  	[smem:$0x3FAF] =	sst s1  }
0xa: {  	[smem:$0x3FB0] =	sst s2  }
0xb: {  	[smem:$0x3FB1] =	sst s3  }
0xc: {  	[smem:$0x3FB2] =	sst s4  }
0xd: {  	[smem:$0x3FB3] =	sst s5  }
0xe: {  	[smem:$0x3FB4] =	sst s6  }
0xf: {  	[smem:$0x3FB5] =	sst s7  }
0x10: {  	[smem:$0x3FB6] =	sst s8  }
0x11: {  	[smem:$0x3FB7] =	sst s9;
	s0 =	simm.s32 @!p0 $0x0  }
0x12: {  	s1 =	sld [smem:$0x3F9D];
	s0 =	simm.s32 @p0 $0x1  }
0x13: {  	[smem:$0x3FB8] =	sst s0;
	s0 =	simm.s32 @!p1 $0x0  }
0x14: {  	s2 =	sld [smem:$0x3F9C];
	s0 =	simm.s32 @p1 $0x1  }
0x15: {  	[smem:$0x3FB9] =	sst s0;
	s0 =	simm.s32 @!p2 $0x0  }
0x16: {  	s3 =	sld [smem:$0x3FDB];
	s0 =	simm.s32 @p2 $0x1  }
0x17: {  	s4 =	simm.s32 $0x1BF5;
	[smem:$0x3FBB] =	sst s0  }
0x18: {  	s0 =	sld [smem:$0x3F9E];
	_ =	swait.ge [sflag:s4], $0x0  }
0x19: {  	s7 =	sld [smem:$0x3F9F]  }
0x1a: {  	s8 =	sadd.s32 $0xFFFFE003, lr  }
0x1b: {  	s9 =	sadd.s32 $0xFFFFFEF7, lr;
	s5 =	simm.s32 $0xFFFFFFFF;
	p2 =	slt.u32 s8, $0xFFFFF086  }
0x1c: {  	p1 =	slt.u32 s9, $0xF7A;
	s5 =	simm.s32 @!p2 $0x0  }
0x1d: {  	s5 =	simm.s32 @p1 $0x1;
	p0 =	seq.s32 s7, s2  }
0x1e: {  	s7 =	smul.u32 @!p0 $0xF7A, s2;
	p2 =	seq.s32 @!p0 s5, $0x0  }
0x1f: {  	s9 =	smul.u32 $0xF7A, s1;
	s8 =	simm.s32 @!p0 $0x1BF5;
	p2 =	por !p2, p0  }
0x20: {  	[sflag:s8] =	ssyncset.s32 @!p0 $0xFFFFF086;
	s6 =	sadd.s32 @!p0 s3, s7;
	s7 =	simm.s32 @!p0 $0x108  }
0x21: {  	s3 =	sadd.s32 s3, s9;
	s6 =	sadd.s32 @!p0 $0x88, s6;
	s7 =	simm.s32 @p2 $0x1082  }
0x22: {  	[simem:s7], [sflag:s8] =	dma.local @!p0 [hbm:s6], $0xF7A  }
0x23: {  	s9 =	sor.u32 $0xD0000000, s2;
	s6 =	simm.s32 $0x108;
	_ =	swait.ge @!p0 [sflag:s8], $0x0  }
0x24: {  	s3 =	sadd.s32 $0x88, s3;
	s6 =	simm.s32 @!p1 $0x1082;
	[sflag:s4] =	ssyncset.s32 $0xFFFFF086  }
0x25: {  	[simem:s6], [sflag:s4] =	dma.local [hbm:s3], $0xF7A  }
0x26: {  	[smem:$0x3F9F] =	sst s1;
	(tag) =	ssettag s2;
	_ =	strace s9  }
0x27: {  	s1 =	sld [smem:$0x3FAF]  }
0x28: {  	s2 =	sld [smem:$0x3FB0]  }
0x29: {  	s4 =	sld [smem:$0x3FB2]  }
0x2a: {  	p0 =	seq.s32 s5, $0x0;
	s5 =	sld [smem:$0x3FB3]  }
0x2b: {  	s6 =	sld [smem:$0x3FB4]  }
0x2c: {  	s7 =	sld [smem:$0x3FB5]  }
0x2d: {  	s3 =	simm.s32 $0x108;
	s8 =	sld [smem:$0x3FB6]  }
0x2e: {  	s3 =	simm.s32 @!p0 $0x1082;
	s9 =	sld [smem:$0x3FB7]  }
0x2f: {  	lr =	sadd.s32 s0, s3;
	s0 =	sld [smem:$0x3FAE]  }
0x30: {  	s3 =	sld [smem:$0x3FB1]  }
0x31: {  	[smem:$0x3FBA] =	sst s10  }
0x32: {  	s10 =	sld [smem:$0x3FB8];
	_ =	sdelay $0x3  }
0x33: {  	p0 =	seq.s32 s10, $0x1;
	s10 =	sld [smem:$0x3FBA];
	_ =	sdelay $0x3  }
0x34: {  	[smem:$0x3FBA] =	sst s10  }
0x35: {  	s10 =	sld [smem:$0x3FB9];
	_ =	sdelay $0x3  }
0x36: {  	p1 =	seq.s32 s10, $0x1;
	s10 =	sld [smem:$0x3FBA];
	_ =	sdelay $0x3  }
0x37: {  	[smem:$0x3FBA] =	sst s10  }
0x38: {  	s10 =	sld [smem:$0x3FBB]  }
0x39: {  	_ = 	snop;
	(pc) =	sbr.ind lr, $3  }
0x3a: {  	_ = 	snop  }
0x3b: {  	_ = 	snop  }
0x3c: {  	p2 =	seq.s32 s10, $0x1;
	s10 =	sld [smem:$0x3FBA]  }
0x3d: {  	_ =	shalt  }
0x3e: {  	_ =	shalt  }
0x3f: {  	_ =	shalt  }
0x40: {  	_ =	shalt  }
0x41: {  	_ =	shalt  }
0x42: {  	_ =	shalt  }
0x43: {  	_ =	shalt  }
0x44: {  	_ =	shalt  }
0x45: {  	_ =	shalt  }
0x46: {  	_ =	shalt  }
0x47: {  	_ =	shalt  }
0x48: {  	_ =	shalt  }
0x49: {  	_ =	shalt  }
0x4a: {  	_ =	shalt  }
0x4b: {  	_ =	shalt  }
0x4c: {  	_ =	shalt  }
0x4d: {  	_ =	shalt  }
0x4e: {  	_ =	shalt  }
0x4f: {  	_ =	shalt  }
0x50: {  	_ =	shalt  }
0x51: {  	_ =	shalt  }
0x52: {  	_ =	shalt  }
0x53: {  	_ =	shalt  }
0x54: {  	_ =	shalt  }
0x55: {  	_ =	shalt  }
0x56: {  	_ =	shalt  }
0x57: {  	_ =	shalt  }
0x58: {  	_ =	shalt  }
0x59: {  	_ =	shalt  }
0x5a: {  	_ =	shalt  }
0x5b: {  	_ =	shalt  }
0x5c: {  	_ =	shalt  }
0x5d: {  	_ =	shalt  }
0x5e: {  	_ =	shalt  }
0x5f: {  	_ =	shalt  }
0x60: {  	_ =	shalt  }
0x61: {  	_ =	shalt  }
0x62: {  	_ =	shalt  }
0x63: {  	_ =	shalt  }
0x64: {  	_ =	shalt  }
0x65: {  	_ =	shalt  }
0x66: {  	_ =	shalt  }
0x67: {  	_ =	shalt  }
0x68: {  	_ =	shalt  }
0x69: {  	_ =	shalt  }
0x6a: {  	_ =	shalt  }
0x6b: {  	_ =	shalt  }
0x6c: {  	_ =	shalt  }
0x6d: {  	_ =	shalt  }
0x6e: {  	_ =	shalt  }
0x6f: {  	_ =	shalt  }
0x70: {  	_ =	shalt  }
0x71: {  	_ =	shalt  }
0x72: {  	_ =	shalt  }
0x73: {  	_ =	shalt  }
0x74: {  	_ =	shalt  }
0x75: {  	_ =	shalt  }
0x76: {  	_ =	shalt  }
0x77: {  	_ =	shalt  }
0x78: {  	_ =	shalt  }
0x79: {  	_ =	shalt  }
0x7a: {  	_ =	shalt  }
0x7b: {  	_ =	shalt  }
0x7c: {  	_ =	shalt  }
0x7d: {  	_ =	shalt  }
0x7e: {  	_ =	shalt  }
0x7f: {  	_ =	shalt  }
0x80: {  	_ =	shalt  }
0x81: {  	_ =	shalt  }
0x82: {  	_ =	shalt  }
0x83: {  	_ =	shalt  }
0x84: {  	_ =	shalt  }
0x85: {  	_ =	shalt  }
0x86: {  	_ =	shalt  }
0x87: {  	_ =	shalt  }
.Lfunc_end0:
.L_simem_size_0:
called_computation_lowered:
.L_overlay_start_0:
0x88: {  	s0 =	sld [smem:$0x3FD9]  }
0x89: {  	s1 =	sld [smem:$0x3FFE];
	_ =	sdelay $0x3  }
0x8a: {  	s0 =	sadd.s32 s1, s0  }
0x8b: {  	[smem:$0x3FC6] =	sst s0  }
0x8c: {  	_ = 	snop  }
0x8d: {  	s0 =	sld [smem:$0x3FC9]  }
0x8e: {  	s16 =	sld [smem:$0x3FD0];
	(tm) =	ssettm $0x1  }
0x8f: {  	s2 =	sld [smem:$0x3FFB];
	_ =	sdelay $0x3  }
0x90: {  	_ =	strace s2  }
0x91: {  	s2 =	sld [smem:$0x3FFC];
	_ =	sdelay $0x3  }
0x92: {  	_ =	strace s2  }
0x93: {  	s2 =	sld [smem:$0x3FFD];
	_ =	sdelay $0x3  }
0x94: {  	_ =	strace s2  }
0x95: {  	_ =	strace $0x8FFFFFFF  }
0x96: {  	s17 =	sld [smem:$0x3FDB];
	_ =	sdelay $0x1  }
0x97: {  	s3 =	simm.s32 $_scs_section_size  }
0x98: {  	s4 =	simm.s32 $_size__tile_overlayer_lowered;
	s5 =	simm.s32 $_tile_overlayer_lowered  }
0x99: {  	s20 =	simm.s32 $0x1BFF;
	s19 =	sshll.u32 s5, $0x1;
	s2 =	sadd.s32 s3, s17  }
0x9a: {  	s6 =	simm.s32 $0x0;
	s18 =	sshll.u32 s4, $0x1;
	s4 =	sadd.s32 s19, s2  }
0x9b: {  	[timem:s6], [sflag:s20] =	dma.local [hbm:s4], s18  }
0x9c: {  	_ =	swait.ge [sflag:s20], s18  }
0x9d: {  	s3 =	ssub.s32 $0x0, s18;
	[sflag:s20] =	ssyncset.done $0x0  }
0x9e: {  	[sflag:s20] =	ssyncadd.s32 s3;
	_ =	sdelay $0x1  }
0x9f: {  	s21 =	simm.s32 $0x1B8B  }
0xa0: {  	_ =	swait.ge [sflag:s21], $0x1  }
0xa1: {  	[sflag:s21] =	ssyncset.done $0x0  }
0xa2: {  	s23 =	simm.s32 $0x1B8E;
	s22 =	sld [smem:$0x3FFE];
	[sflag:s21] =	ssyncadd.s32 $0xFFFFFFFF  }
0xa3: {  	s24 =	simm.s32 $execute0_lowered;
	[smem:$0x3FD2] =	sst s23  }
0xa4: {  	s4 =	sshll.u32 s24, $0x1;
	_ =	strace $0x80000046;
	[dreg:$0x1] =	wrdreg $0xFFFFFFFF  }
0xa5: {  	s25 =	simm.s32 $_size_execute0_lowered;
	s2 =	sadd.s32 s2, s4;
	[dreg:$0x0] =	wrdreg $0x0  }
0xa6: {  	s4 =	sshll.u32 s25, $0x1;
	[dreg:$0x2] =	wrdreg s2  }
0xa7: {  	[dreg:$0x3] =	wrdreg s4  }
0xa8: {  	[dreg:$0x4] =	wrdreg $0xC0  }
0xa9: {  	_ =	task [dreg:s6], $0x5FFFF  }
0xaa: {  	[dreg:$0x1] =	wrdreg $0xFFFFFFFF  }
0xab: {  	[dreg:$0x0] =	wrdreg $0x60  }
0xac: {  	[dreg:$0x2] =	wrdreg s22  }
0xad: {  	[dreg:$0x3] =	wrdreg s0  }
0xae: {  	[dreg:$0x4] =	wrdreg s16  }
0xaf: {  	[dreg:$0x5] =	wrdreg $0x9  }
0xb0: {  	_ =	task.clear_ibuf [dreg:s6], $0x6FFFF;
	_ =	strace $0x90000046  }
0xb1: {  	s26 =	simm.s32 $0x9;
	_ =	strace $0x80000048  }
0xb2: {  	_ =	swait.ge [sflag:s26], $0x1  }
0xb3: {  	[sflag:s26] =	ssyncadd.s32 $0xFFFFFFFF  }
0xb4: {  	_ =	strace $0x90000048  }
0xb5: {  	_ =	sfence  }
0xb6: {  	s28 =	sld [smem:$0x0];
	_ =	sdelay $0x1  }
0xb7: {  	s29 =	srdreg.scid  }
0xb8: {  	s30 =	sshll.u32 s29, $0xD;
	s31 =	sshrl.u32 s29, $0x2  }
0xb9: {  	s1 =	sand.u32 $0x1, s29;
	s2 =	sand.u32 $0x4000, s30;
	s0 =	sadd.s32 s31, s28  }
0xba: {  	s1 =	sor.u32 s2, s1;
	s0 =	sshll.u32 s0, $0x11  }
0xbb: {  	s0 =	sor.u32 s0, s1  }
0xbc: {  	s0 =	sadd.s32 $0x8F2B, s0  }
0xbd: {  	[sflag:s0] =	ssyncadd.remote.s32 $0x1  }
0xbe: {  	_ =	sfence.sel $0xFFFF  }
0xbf: {  	[dreg:$0x0] =	wrdreg $0xFFFFFFFF;
	(pc) =	sbr.abs _section_cstart, $3  }
0xc0: {  	[dreg:$0x1] =	wrdreg $0xFFFFFFFF  }
0xc1: {  	_ =	task.clear_ibuf [dreg:s6], $0x2FFFF;
	_ =	strace $0x9FFFFFFF  }
0xc2: {  	(tm) =	ssettm $0x7FFFFFFF  }
0xc3: {  	_ =	shalt  }
tec
execute0_lowered:
.L_overlay_start_1:
0x0: {  	(tag) =	ssettag $0x1  }
0x1: {  	s4 =	rddreg [dreg:$0x0]  }
0x2: {  	s3 =	rddreg [dreg:$0x1]  }
0x3: {  	s2 =	rddreg [dreg:$0x2]  }
0x4: {  	s0 =	rddreg [dreg:$0x3];
	s5 =	simm.s32 $0x0;
	s1 =	stileid.u32  }
0x5: {  	s31 =	simm.s32 $0x1;
	[smem:$0x7FF] =	sst s5;
	s6 =	sshll.u32 s1, $0x7  }
0x6: {  	_ =	strace $0x80000047;
	s6 =	sadd.s32 s3, s6;
	s3 =	simm.s32 $0x80  }
0x7: {  	[tilespmem:s3], [sflag:$0x1] =	stream.linear.gather [hbm4b:s6+s5], $0x400, $0x38;
	[tilespmem:$0xC80] =	vst v63  }
0x8: {  	_ =	swait.ge [sflag:s31], $0x400  }
0x9: {  	v0 =	vimm.s32 $0xEFCDAB89;
	v1 =	vimm.s32 $0x67452301;
	[sflag:s31] =	ssyncset.done $0x0  }
0xa: {  	s7 =	simm.s32 $0x18;
	s4 =	sadd.s32 $0x600, s4;
	v0 =	vunpack.c.l.s4.s8 v0;
	v1 =	vunpack.c.l.s4.s8 v1;
	[sflag:s31] =	ssyncadd.s32 $0xFFFFFC00  }
0xb: {  	[tilespmem:s7], [sflag:$0x1] =	stream.linear.gather [hbm4b:s4+s5], $0x4, $0x38;
	[tilespmem:$0xC80] =	vst v63  }
0xc: {  	v0 =	vunpack.c.0.s8.s32 v0;
	v1 =	vunpack.c.0.s8.s32 v1;
	_ =	swait.ge [sflag:s31], $0x4  }
0xd: {  	[sflag:s31] =	ssyncset.done $0x0  }
0xe: {  	v0 =	vcombine.low v1, v0;
	[sflag:s31] =	ssyncadd.s32 $0xFFFFFFFC  }
0xf: {  	v1 =	vld [tilespmem:$0x10]  }
0x10: {  	v0 =	vand.u32 $0xF, v0;
	_ =	sdelay $0x3  }
0x11: {  	[tilespmem:$0x0] =	vst v1  }
0x12: {  	v2 =	vld.idx.msk [tilespmem:v0+s5+$0x0], $0xffff;
	_ =	sdelay $0x4  }
0x13: {  	v2 =	vmax.f32 v1, v2  }
0x14: {  	v1 =	vsub.f32 v1, v2;
	_ =	sdelay $0x1  }
0x15: {  	v1 =	vmul.f32 $1.442695020e+00, v1;
	_ =	sdelay $0x1  }
0x16: {  	(erf) = vpow2.f32 v1;
	_ =	sdelay $0x8  }
0x17: {  	v1 =	vpop (erf)  }
0x18: {  	[tilespmem:$0x0] =	vst v1  }
0x19: {  	v0 =	vld.idx.msk [tilespmem:v0+s5+$0x0], $0xffff;
	_ =	sdelay $0x4  }
0x1a: {  	v0 =	vadd.f32 v1, v0;
	_ =	sdelay $0x1  }
0x1b: {  	(erf) = vrcp.f32 v0;
	_ =	sdelay $0x7  }
0x1c: {  	v0 =	vimm.s32 $0x8  }
0x1d: {  	v3 =	vimm.s32 $0x9;
	v4 =	vlaneseq.u32;
	v2 =	vpop (erf)  }
0x1e: {  	v5 =	vor.u32 s5, v4;
	v1 =	vmul.f32 v2, v1  }
0x1f: {  	v6 =	vimm.s32 $0xA  }
0x20: {  	v7 =	vimm.s32 $0xB;
	[tilespmem:$0x0] =	vst v1  }
0x21: {  	v0 =	vld.idx.msk [tilespmem:v0+s5+$0x0], $0xffff  }
0x22: {  	v2 =	vld.idx.msk [tilespmem:v3+s5+$0x0], $0xffff  }
0x23: {  	v5 =	vld.idx.msk [tilespmem:v5+s3+$0x0], $0xffff  }
0x24: {  	v1 =	vld.idx.msk [tilespmem:v6+s5+$0x0], $0xffff  }
0x25: {  	v3 =	vld.idx.msk [tilespmem:v7+s5+$0x0], $0xffff  }
0x26: {  	s4 =	simm.s32 $0x10  }
0x27: {  	v6 =	vor.u32 s4, v4  }
0x28: {  	vm0 =	veq.s32 v5, $0x0  }
0x29: {  	s6 =	simm.s32 $0x480;
	v5 =	vsel vm0, v0, v2  }
0x2a: {  	s5 =	sand.u32 $0x3F0, s5;
	v7 =	vsel vm0, v1, v3;
	[tilespmem:s6+$0x0] =	vst v5  }
0x2b: {  	[tilespmem:s5+$0x880] =	vst v7  }
0x2c: {  	v6 =	vld.idx.msk [tilespmem:v6+s3+$0x0], $0xffff;
	_ =	sdelay $0x2  }
0x2d: {  	s5 =	simm.s32 $0x20  }
0x2e: {  	v5 =	vor.u32 s5, v4  }
0x2f: {  	s7 =	simm.s32 $0x30;
	vm0 =	veq.s32 v6, $0x0  }
.LBB2_1:
0x30: {  	p0 =	sne.s32 s7, $0x3F0;
	v6 =	vsel vm0, v0, v2;
	v7 =	vsel vm0, v1, v3;
	s6 =	sadd.s32 $0x10, s6  }
0x31: {  	s8 =	sand.u32 $0x3F0, s4;
	s4 =	smov.u32 s5;
	s5 =	smov.u32 s7;
	[tilespmem:s6+$0x0] =	vst v6  }
0x32: {  	[tilespmem:s8+$0x880] =	vst v7  }
0x33: {  	v6 =	vld.idx.msk [tilespmem:v5+s3+$0x0], $0xffff;
	_ =	sdelay $0x1  }
.Ltmp0:
0x34: {  	(pc) =	sbr.rel @p0 .LBB2_1-.Ltmp0, $3  }
0x35: {  	_ =	sdelay $0x1  }
0x36: {  	v5 =	vor.u32 s7, v4  }
0x37: {  	s7 =	sadd.s32 $0x10, s7;
	vm0 =	veq.s32 v6, $0x0  }
0x38: {  	_ = 	snop  }
0x39: {  	v4 =	vsel vm0, v0, v2;
	s6 =	sadd.s32 $0x10, s6  }
0x3a: {  	v6 =	vsel vm0, v1, v3;
	s4 =	sand.u32 $0x3F0, s4;
	[tilespmem:s6+$0x0] =	vst v4  }
0x3b: {  	[tilespmem:s4+$0x880] =	vst v6  }
0x3c: {  	v4 =	vld.idx.msk [tilespmem:v5+s3+$0x0], $0xffff;
	_ =	sdelay $0x4  }
0x3d: {  	vm15 =	veq.s32 v4, $0x0  }
0x3e: {  	s24 =	sshll.u32 s1, $0x8;
	s23 =	sadd.s32 $0x10, s6;
	v62 =	vsel vm15, v0, v2  }
0x3f: {  	s25 =	sand.u32 $0x3F0, s5;
	s26 =	simm.s32 $0x80;
	s28 =	simm.s32 $0x100;
	v63 =	vsel vm15, v1, v3;
	[tilespmem:s23+$0x0] =	vst v62  }
0x40: {  	s29 =	simm.s32 $0x480;
	s30 =	simm.s32 $0x1;
	s2 =	sadd.s32 s2, s24;
	[tilespmem:s25+$0x880] =	vst v63  }
0x41: {  	[hbm4b:s2+s26] =	stream.strided.scatter [tilespmem:s29], [sflag:$0x1], $0x400, s28, s26, $0x38;
	[tilespmem:$0xC80] =	vst v63  }
0x42: {  	_ =	swait.ge [sflag:s30], $0x400  }
0x43: {  	[sflag:s30] =	ssyncset.done $0x0  }
0x44: {  	s31 =	simm.s32 $0x880;
	s2 =	sadd.s32 $0x10, s2;
	[sflag:s30] =	ssyncadd.s32 $0xFFFFFC00  }
0x45: {  	[hbm4b:s2+s26] =	stream.strided.scatter [tilespmem:s31], [sflag:$0x1], $0x400, s28, s26, $0x38;
	[tilespmem:$0xC80] =	vst v63  }
0x46: {  	_ =	swait.ge [sflag:s30], $0x400  }
0x47: {  	[sflag:s30] =	ssyncset.done $0x0  }
0x48: {  	[sflag:s30] =	ssyncadd.s32 $0xFFFFFC00  }
0x49: {  	_ =	sfence.sel $0x180000  }
0x4a: {  	[bflag:$0x0] =	sbarrier.arrive $0xFFFF  }
0x4b: {  	p0 =	sne.s32 s1, $0x0;
	_ =	strace $0x90000047  }
0x4c: {  	s0 =	sadd.s32 @!p0 $0x100000, s0;
	[bflag:$0x2] =	sbarrier.arrive $0xFFFF  }
0x4d: {  	[sflag:s0] =	ssyncadd.tile.s32 @!p0 $0x1;
	_ =	shalt  }
.Lfunc_end2:
_tile_overlayer_lowered:
.L_overlay_start_2:
0x4e: {  	(tag) =	ssettag $0x2  }
0x4f: {  	s0 =	rddreg [dreg:$0x0];
	s2 =	stileid.u32  }
0x50: {  	s1 =	rddreg [dreg:$0x1];
	p0 =	sne.s32 s2, $0x0  }
0x51: {  	s3 =	rddreg [dreg:$0x2];
	[bflag:$0x3] =	sbarrier.arrive $0xFFFF;
	s2 =	simm.s32 @!p0 $0x1C01  }
0x52: {  	[timem:s3], [sflag:s2] =	dma.local @!p0 [hbm:s0], s1  }
0x53: {  	s0 =	simm.s32 @!p0 $0x1  }
0x54: {  	_ =	swait.ge @!p0 [sflag:s0], s1  }
0x55: {  	s1 =	ssub.s32 @!p0 $0x0, s1;
	[sflag:s0] =	ssyncset.done @!p0 $0x0  }
0x56: {  	[sflag:s0] =	ssyncadd.s32 @!p0 s1  }
0x57: {  	[bflag:$0x3] =	sbarrier.arrive $0xFFFF  }
0x58: {  	_ =	shalt  }

</sc_bundles>
